<compile_context>
chip_gen: v7x
topology: tpu7x:2x2x1
jax: 0.10.2.dev20260603
libtpu: 0.0.44.dev20260713+nightly
codegen_flags: <defaults>
</compile_context>

<pallas_src>
import functools

import jax
import jax.numpy as jnp
from jax import lax
from jax.experimental import pallas as pl
from jax.experimental.pallas import tpu as pltpu
from jax.experimental.pallas import tpu_sc as plsc

_N = 77
_D = 768
_RPW = 3
_FULL_W = _N // _RPW
_TAIL_BASE = _FULL_W * _RPW
_TAIL_ROWS = _N - _TAIL_BASE


def _matmul_body(x_ref, wv_ref, wo_ref, bo_ref, wn_ref, bn_ref, p_ref):
    x = x_ref[...]
    t = jnp.dot(x, wv_ref[...], preferred_element_type=jnp.float32)
    t = jnp.dot(t, wo_ref[...], preferred_element_type=jnp.float32) + bo_ref[...]
    p_ref[...] = jnp.dot(t, wn_ref[...], preferred_element_type=jnp.float32) + bn_ref[...]


def _sc_scatter_body(tok_hbm, ph_hbm, p_hbm, emb_hbm, out_hbm, tok_v, ph_v, ind_v):
    c = lax.axis_index("c")
    s = lax.axis_index("s")
    wid = s * 2 + c
    base = wid * _RPW
    off = pl.multiple_of(base * _D, 8)

    @pl.when(wid < _FULL_W)
    def _():
        pltpu.sync_copy(emb_hbm.at[pl.ds(off, _RPW * _D)],
                        out_hbm.at[pl.ds(off, _RPW * _D)])

    @pl.when(wid == _FULL_W)
    def _():
        pltpu.sync_copy(emb_hbm.at[pl.ds(_TAIL_BASE * _D, _TAIL_ROWS * _D)],
                        out_hbm.at[pl.ds(_TAIL_BASE * _D, _TAIL_ROWS * _D)])

    @pl.when(wid <= _FULL_W)
    def _():
        pltpu.sync_copy(tok_hbm, tok_v)
        pltpu.sync_copy(ph_hbm, ph_v)
        phv = ph_v[...]
        for ch in range(5):
            tokv = tok_v[pl.ds(ch * 16, 16)]
            ind_v[pl.ds(ch * 16, 16)] = 1 - jnp.minimum(jnp.abs(tokv - phv), 1)
        for k in range(_RPW):
            r = base + k
            hit = ind_v[pl.ds(r, 16)][0]

            @pl.when((hit > 0) & (r < _N))
            def _():
                roff = pl.multiple_of(r * _D, 8)
                pltpu.sync_copy(p_hbm, out_hbm.at[pl.ds(roff, _D)])


def kernel(tokenized_text, embedded_text, image_embeds, placeholder_token,
           Wq1, Wk1, Wv1, Wo1, bo1, Wq2, Wk2, Wv2, Wo2, bo2, Wn, bn):
    b, n = tokenized_text.shape
    d = embedded_text.shape[-1]
    x = image_embeds.reshape(1, d)

    p = pl.pallas_call(
        _matmul_body,
        out_shape=jax.ShapeDtypeStruct((1, d), jnp.float32),
        in_specs=[pl.BlockSpec(memory_space=pltpu.VMEM)] * 6,
        out_specs=pl.BlockSpec(memory_space=pltpu.VMEM),
    )(x, Wv2, Wo2, bo2.reshape(1, d), Wn, bn.reshape(1, d))

    tok80 = jnp.zeros((80,), jnp.int32).at[:n].set(tokenized_text[0])
    ph16 = jnp.broadcast_to(placeholder_token, (16,))
    emb = embedded_text.reshape(n * d)

    scatter = functools.partial(
        pl.kernel,
        mesh=plsc.VectorSubcoreMesh(core_axis_name="c", subcore_axis_name="s"),
        out_type=jax.ShapeDtypeStruct((n * d,), jnp.float32),
        scratch_types=[
            pltpu.VMEM((80,), jnp.int32),
            pltpu.VMEM((16,), jnp.int32),
            pltpu.VMEM((96,), jnp.int32),
        ],
    )(_sc_scatter_body)
    out = scatter(tok80, ph16, p.reshape(d), emb)
    return out.reshape(b, n, d)

# --- scband reference (transcript-rebuilt; emitter-appended) ---
"""Pipeline reference for scband-embedding-manager-42099269435712 (READ-ONLY COPY).

The authoritative reference and input builder live on the scoring server;
editing this copy changes nothing except your own understanding.
"""

import jax, jax.numpy as jnp
import numpy as np

HEADS = 8
DIM_HEAD = 64
TOKEN_DIM = 768
INNER = HEADS * DIM_HEAD
PLACEHOLDER_TOKEN = 265


def _cross_attention(x, context, Wq, Wk, Wv, Wo, bo):
    b, n, _ = x.shape
    m = context.shape[1]
    q = x @ Wq
    k = context @ Wk
    v = context @ Wv
    q = q.reshape(b, n, HEADS, DIM_HEAD).transpose(0, 2, 1, 3)
    k = k.reshape(b, m, HEADS, DIM_HEAD).transpose(0, 2, 1, 3)
    v = v.reshape(b, m, HEADS, DIM_HEAD).transpose(0, 2, 1, 3)
    scale = DIM_HEAD ** -0.5
    sim = jnp.einsum('bhnd,bhmd->bhnm', q, k) * scale
    attn = jax.nn.softmax(sim, axis=-1)
    out = jnp.einsum('bhnm,bhmd->bhnd', attn, v)
    out = out.transpose(0, 2, 1, 3).reshape(b, n, INNER)
    return out @ Wo + bo


def setup_inputs(seed: int = 0) -> dict:
    key = jax.random.key(seed)
    ks = jax.random.split(key, 20)
    B, N = 1, 77
    tokenized_text = jax.random.randint(ks[0], (B, N), 0, 49408, dtype=jnp.int32)
    # ensure the placeholder token actually appears a few times
    tokenized_text = tokenized_text.at[0, 5].set(PLACEHOLDER_TOKEN)
    tokenized_text = tokenized_text.at[0, 20].set(PLACEHOLDER_TOKEN)
    tokenized_text = tokenized_text.at[0, 50].set(PLACEHOLDER_TOKEN)
    embedded_text = jax.random.normal(ks[1], (B, N, TOKEN_DIM), dtype=jnp.float32)
    image_embeds = jax.random.normal(ks[2], (B, TOKEN_DIM), dtype=jnp.float32)
    s = 0.02
    params = {
        'Wq1': jax.random.normal(ks[3], (TOKEN_DIM, INNER)) * s,
        'Wk1': jax.random.normal(ks[4], (TOKEN_DIM, INNER)) * s,
        'Wv1': jax.random.normal(ks[5], (TOKEN_DIM, INNER)) * s,
        'Wo1': jax.random.normal(ks[6], (INNER, TOKEN_DIM)) * s,
        'bo1': jnp.zeros((TOKEN_DIM,), dtype=jnp.float32),
        'Wq2': jax.random.normal(ks[7], (TOKEN_DIM, INNER)) * s,
        'Wk2': jax.random.normal(ks[8], (TOKEN_DIM, INNER)) * s,
        'Wv2': jax.random.normal(ks[9], (TOKEN_DIM, INNER)) * s,
        'Wo2': jax.random.normal(ks[10], (INNER, TOKEN_DIM)) * s,
        'bo2': jnp.zeros((TOKEN_DIM,), dtype=jnp.float32),
        'Wn': jax.random.normal(ks[11], (TOKEN_DIM, TOKEN_DIM)) * s,
        'bn': jnp.zeros((TOKEN_DIM,), dtype=jnp.float32),
    }
    inp = {
        'tokenized_text': tokenized_text,
        'embedded_text': embedded_text,
        'image_embeds': image_embeds,
        'placeholder_token': jnp.int32(PLACEHOLDER_TOKEN),
    }
    inp.update(params)
    return inp


def reference(tokenized_text, embedded_text, image_embeds, placeholder_token,
              Wq1, Wk1, Wv1, Wo1, bo1, Wq2, Wk2, Wv2, Wo2, bo2, Wn, bn):
    b, n = tokenized_text.shape
    x = image_embeds.reshape(b, 1, TOKEN_DIM)
    # Attentions.forward: attn1 is self-attention on x
    x1 = _cross_attention(x, x, Wq1, Wk1, Wv1, Wo1, bo1)
    # attn2 is cross-attention: query = x1, context = x
    x2 = _cross_attention(x1, x, Wq2, Wk2, Wv2, Wo2, bo2)
    # net: Dropout (identity at eval) + Linear
    x3 = x2 @ Wn + bn
    # .view(1, 768) — requires b == 1, as in the original torch code
    placeholder_embedding = x3.reshape(1, TOKEN_DIM)
    # scatter-overwrite: embedded_text[tokenized_text == token] = placeholder_embedding
    mask = (tokenized_text == placeholder_token)
    out = jnp.where(mask[:, :, None], placeholder_embedding.reshape(1, 1, TOKEN_DIM), embedded_text)
    return out

if __name__ == "__main__":
    import jax
    _d = setup_inputs()
    print(jax.jit(kernel)(*tuple(_d.values())))

</pallas_src>

<mosaic_0001>
#map = affine_map<(d0, d1) -> (0)>
module attributes {stable_mosaic.version = 14 : i64} {
  func.func @_sc_scatter_body(%arg0: i32, %arg1: i32, %arg2: memref<80xi32, #tpu.memory_space<hbm>>, %arg3: memref<16xi32, #tpu.memory_space<hbm>>, %arg4: memref<768xf32, #tpu.memory_space<hbm>>, %arg5: memref<59136xf32, #tpu.memory_space<hbm>>, %arg6: memref<59136xf32, #tpu.memory_space<hbm>>, %arg7: memref<80xi32, #tpu.memory_space<vmem>>, %arg8: memref<16xi32, #tpu.memory_space<vmem>>, %arg9: memref<96xi32, #tpu.memory_space<vmem>>) attributes {dimension_semantics = [#tpu.dimension_semantics<core_parallel>, #tpu.dimension_semantics<subcore_parallel>], iteration_bounds = array<i64: 2, 16>, scalar_prefetch = 0 : i64, scratch_operands = 3 : i64, tpu.core_type = #tpu.core_type<sc_vector_subcore>, window_params = [{transform_indices = #map}, {transform_indices = #map}, {transform_indices = #map}, {transform_indices = #map}, {transform_indices = #map}]} {
    %mul3A = arith.constant 2 : i32
    %mul3A_0 = arith.muli %arg1, %mul3A : i32
    %add3A = arith.addi %mul3A_0, %arg0 : i32
    %mul3A_1 = arith.constant 3 : i32
    %mul3A_2 = arith.muli %add3A, %mul3A_1 : i32
    %mul3A_3 = arith.constant 768 : i32
    %mul3A_4 = arith.muli %mul3A_2, %mul3A_3 : i32
    %multiple_of3A = tpu.assume_multiple %mul3A_4, 8 : i32
    %lt3A = arith.constant 25 : i32
    %lt3A_5 = arith.cmpi slt, %add3A, %lt3A : i32
    %convert_element_type3A = arith.extui %lt3A_5 : i1 to i32
    %cond3A = arith.constant 0 : i32
    %cond3A_6 = arith.cmpi ne, %convert_element_type3A, %cond3A : i32
    scf.if %cond3A_6 {
      "tpu.region"() ({
        %run_scoped3A = tpu.sem_alloc : memref<!tpu.dma_semaphore, #tpu.memory_space<semaphore_mem>>
        %dma_start3A = tpu.memref_slice %arg6[%multiple_of3A] : memref<59136xf32, #tpu.memory_space<hbm>> -> memref<2304xf32, #tpu.memory_space<hbm>>
        %dma_start3A_15 = tpu.memref_slice %arg5[%multiple_of3A] : memref<59136xf32, #tpu.memory_space<hbm>> -> memref<2304xf32, #tpu.memory_space<hbm>>
        tpu.enqueue_dma source(%dma_start3A_15 : memref<2304xf32, #tpu.memory_space<hbm>>) target(%dma_start3A : memref<2304xf32, #tpu.memory_space<hbm>>) target_semaphore(%run_scoped3A : memref<!tpu.dma_semaphore, #tpu.memory_space<semaphore_mem>>)
        %dma_wait3A = tpu.memref_slice %arg6[%multiple_of3A] : memref<59136xf32, #tpu.memory_space<hbm>> -> memref<2304xf32, #tpu.memory_space<hbm>>
        %dma_wait3A_16 = tpu.memref_slice %arg5[%multiple_of3A] : memref<59136xf32, #tpu.memory_space<hbm>> -> memref<2304xf32, #tpu.memory_space<hbm>>
        tpu.wait_dma2 semaphore(%run_scoped3A : memref<!tpu.dma_semaphore, #tpu.memory_space<semaphore_mem>>) src(%dma_wait3A_16 : memref<2304xf32, #tpu.memory_space<hbm>>) dst(%dma_wait3A : memref<2304xf32, #tpu.memory_space<hbm>>)
        tpu.yield
      }) : () -> ()
    } else {
    }
    %eq3A = arith.constant 25 : i32
    %eq3A_7 = arith.cmpi eq, %add3A, %eq3A : i32
    %convert_element_type3A_8 = arith.extui %eq3A_7 : i1 to i32
    %cond3A_9 = arith.constant 0 : i32
    %cond3A_10 = arith.cmpi ne, %convert_element_type3A_8, %cond3A_9 : i32
    scf.if %cond3A_10 {
      "tpu.region"() ({
        %run_scoped3A = tpu.sem_alloc : memref<!tpu.dma_semaphore, #tpu.memory_space<semaphore_mem>>
        %dma_start3A = arith.constant 57600 : i32
        %dma_start3A_15 = tpu.memref_slice %arg6[%dma_start3A] : memref<59136xf32, #tpu.memory_space<hbm>> -> memref<1536xf32, #tpu.memory_space<hbm>>
        %dma_start3A_16 = arith.constant 57600 : i32
        %dma_start3A_17 = tpu.memref_slice %arg5[%dma_start3A_16] : memref<59136xf32, #tpu.memory_space<hbm>> -> memref<1536xf32, #tpu.memory_space<hbm>>
        tpu.enqueue_dma source(%dma_start3A_17 : memref<1536xf32, #tpu.memory_space<hbm>>) target(%dma_start3A_15 : memref<1536xf32, #tpu.memory_space<hbm>>) target_semaphore(%run_scoped3A : memref<!tpu.dma_semaphore, #tpu.memory_space<semaphore_mem>>)
        %dma_wait3A = arith.constant 57600 : i32
        %dma_wait3A_18 = tpu.memref_slice %arg6[%dma_wait3A] : memref<59136xf32, #tpu.memory_space<hbm>> -> memref<1536xf32, #tpu.memory_space<hbm>>
        %dma_wait3A_19 = arith.constant 57600 : i32
        %dma_wait3A_20 = tpu.memref_slice %arg5[%dma_wait3A_19] : memref<59136xf32, #tpu.memory_space<hbm>> -> memref<1536xf32, #tpu.memory_space<hbm>>
        tpu.wait_dma2 semaphore(%run_scoped3A : memref<!tpu.dma_semaphore, #tpu.memory_space<semaphore_mem>>) src(%dma_wait3A_20 : memref<1536xf32, #tpu.memory_space<hbm>>) dst(%dma_wait3A_18 : memref<1536xf32, #tpu.memory_space<hbm>>)
        tpu.yield
      }) : () -> ()
    } else {
    }
    %le3A = arith.constant 25 : i32
    %le3A_11 = arith.cmpi sle, %add3A, %le3A : i32
    %convert_element_type3A_12 = arith.extui %le3A_11 : i1 to i32
    %cond3A_13 = arith.constant 0 : i32
    %cond3A_14 = arith.cmpi ne, %convert_element_type3A_12, %cond3A_13 : i32
    scf.if %cond3A_14 {
      "tpu.region"() ({
        %run_scoped3A = tpu.sem_alloc : memref<!tpu.dma_semaphore, #tpu.memory_space<semaphore_mem>>
        tpu.enqueue_dma source(%arg2 : memref<80xi32, #tpu.memory_space<hbm>>) target(%arg7 : memref<80xi32, #tpu.memory_space<vmem>>) target_semaphore(%run_scoped3A : memref<!tpu.dma_semaphore, #tpu.memory_space<semaphore_mem>>)
        tpu.wait_dma2 semaphore(%run_scoped3A : memref<!tpu.dma_semaphore, #tpu.memory_space<semaphore_mem>>) src(%arg2 : memref<80xi32, #tpu.memory_space<hbm>>) dst(%arg7 : memref<80xi32, #tpu.memory_space<vmem>>)
        tpu.yield
      }) : () -> ()
      "tpu.region"() ({
        %run_scoped3A = tpu.sem_alloc : memref<!tpu.dma_semaphore, #tpu.memory_space<semaphore_mem>>
        tpu.enqueue_dma source(%arg3 : memref<16xi32, #tpu.memory_space<hbm>>) target(%arg8 : memref<16xi32, #tpu.memory_space<vmem>>) target_semaphore(%run_scoped3A : memref<!tpu.dma_semaphore, #tpu.memory_space<semaphore_mem>>)
        tpu.wait_dma2 semaphore(%run_scoped3A : memref<!tpu.dma_semaphore, #tpu.memory_space<semaphore_mem>>) src(%arg3 : memref<16xi32, #tpu.memory_space<hbm>>) dst(%arg8 : memref<16xi32, #tpu.memory_space<vmem>>)
        tpu.yield
      }) : () -> ()
      %get3A = arith.constant 0 : index
      %get3A_15 = tpu.vector_load %arg8[%get3A] {strides = array<i32>} : memref<16xi32, #tpu.memory_space<vmem>>, vector<16xi32>,
      %get3A_16 = vector.shape_cast %get3A_15 : vector<16xi32> to vector<16xi32>
      %get3A_17 = arith.constant 0 : index
      %get3A_18 = tpu.vector_load %arg7[%get3A_17] {strides = array<i32>} : memref<80xi32, #tpu.memory_space<vmem>>, vector<16xi32>,
      %get3A_19 = vector.shape_cast %get3A_18 : vector<16xi32> to vector<16xi32>
      %sub3A = arith.subi %get3A_19, %get3A_16 : vector<16xi32>
      %abs3A = math.absi %sub3A : vector<16xi32>
      %min3A = arith.constant 1 : i32
      %min3A_20 = vector.broadcast %min3A : i32 to vector<16xi32>
      %min3A_21 = arith.minsi %abs3A, %min3A_20 : vector<16xi32>
      %sub3A_22 = arith.constant 1 : i32
      %sub3A_23 = vector.broadcast %sub3A_22 : i32 to vector<16xi32>
      %sub3A_24 = arith.subi %sub3A_23, %min3A_21 : vector<16xi32>
      %swap3A = arith.constant 0 : index
      %swap3A_25 = tpu.vector_load %arg9[%swap3A] {strides = array<i32>} : memref<96xi32, #tpu.memory_space<vmem>>, vector<16xi32>,
      %swap3A_26 = vector.shape_cast %swap3A_25 : vector<16xi32> to vector<16xi32>
      %swap3A_27 = vector.shape_cast %sub3A_24 : vector<16xi32> to vector<16xi32>
      tpu.vector_store %arg9[%swap3A], %swap3A_27 {strides = array<i32>} : memref<96xi32, #tpu.memory_space<vmem>>, vector<16xi32>,
      %get3A_28 = arith.constant 16 : index
      %get3A_29 = tpu.vector_load %arg7[%get3A_28] {strides = array<i32>} : memref<80xi32, #tpu.memory_space<vmem>>, vector<16xi32>,
      %get3A_30 = vector.shape_cast %get3A_29 : vector<16xi32> to vector<16xi32>
      %sub3A_31 = arith.subi %get3A_30, %get3A_16 : vector<16xi32>
      %abs3A_32 = math.absi %sub3A_31 : vector<16xi32>
      %min3A_33 = arith.constant 1 : i32
      %min3A_34 = vector.broadcast %min3A_33 : i32 to vector<16xi32>
      %min3A_35 = arith.minsi %abs3A_32, %min3A_34 : vector<16xi32>
      %sub3A_36 = arith.constant 1 : i32
      %sub3A_37 = vector.broadcast %sub3A_36 : i32 to vector<16xi32>
      %sub3A_38 = arith.subi %sub3A_37, %min3A_35 : vector<16xi32>
      %swap3A_39 = arith.constant 16 : index
      %swap3A_40 = tpu.vector_load %arg9[%swap3A_39] {strides = array<i32>} : memref<96xi32, #tpu.memory_space<vmem>>, vector<16xi32>,
      %swap3A_41 = vector.shape_cast %swap3A_40 : vector<16xi32> to vector<16xi32>
      %swap3A_42 = vector.shape_cast %sub3A_38 : vector<16xi32> to vector<16xi32>
      tpu.vector_store %arg9[%swap3A_39], %swap3A_42 {strides = array<i32>} : memref<96xi32, #tpu.memory_space<vmem>>, vector<16xi32>,
      %get3A_43 = arith.constant 32 : index
      %get3A_44 = tpu.vector_load %arg7[%get3A_43] {strides = array<i32>} : memref<80xi32, #tpu.memory_space<vmem>>, vector<16xi32>,
      %get3A_45 = vector.shape_cast %get3A_44 : vector<16xi32> to vector<16xi32>
      %sub3A_46 = arith.subi %get3A_45, %get3A_16 : vector<16xi32>
      %abs3A_47 = math.absi %sub3A_46 : vector<16xi32>
      %min3A_48 = arith.constant 1 : i32
      %min3A_49 = vector.broadcast %min3A_48 : i32 to vector<16xi32>
      %min3A_50 = arith.minsi %abs3A_47, %min3A_49 : vector<16xi32>
      %sub3A_51 = arith.constant 1 : i32
      %sub3A_52 = vector.broadcast %sub3A_51 : i32 to vector<16xi32>
      %sub3A_53 = arith.subi %sub3A_52, %min3A_50 : vector<16xi32>
      %swap3A_54 = arith.constant 32 : index
      %swap3A_55 = tpu.vector_load %arg9[%swap3A_54] {strides = array<i32>} : memref<96xi32, #tpu.memory_space<vmem>>, vector<16xi32>,
      %swap3A_56 = vector.shape_cast %swap3A_55 : vector<16xi32> to vector<16xi32>
      %swap3A_57 = vector.shape_cast %sub3A_53 : vector<16xi32> to vector<16xi32>
      tpu.vector_store %arg9[%swap3A_54], %swap3A_57 {strides = array<i32>} : memref<96xi32, #tpu.memory_space<vmem>>, vector<16xi32>,
      %get3A_58 = arith.constant 48 : index
      %get3A_59 = tpu.vector_load %arg7[%get3A_58] {strides = array<i32>} : memref<80xi32, #tpu.memory_space<vmem>>, vector<16xi32>,
      %get3A_60 = vector.shape_cast %get3A_59 : vector<16xi32> to vector<16xi32>
      %sub3A_61 = arith.subi %get3A_60, %get3A_16 : vector<16xi32>
      %abs3A_62 = math.absi %sub3A_61 : vector<16xi32>
      %min3A_63 = arith.constant 1 : i32
      %min3A_64 = vector.broadcast %min3A_63 : i32 to vector<16xi32>
      %min3A_65 = arith.minsi %abs3A_62, %min3A_64 : vector<16xi32>
      %sub3A_66 = arith.constant 1 : i32
      %sub3A_67 = vector.broadcast %sub3A_66 : i32 to vector<16xi32>
      %sub3A_68 = arith.subi %sub3A_67, %min3A_65 : vector<16xi32>
      %swap3A_69 = arith.constant 48 : index
      %swap3A_70 = tpu.vector_load %arg9[%swap3A_69] {strides = array<i32>} : memref<96xi32, #tpu.memory_space<vmem>>, vector<16xi32>,
      %swap3A_71 = vector.shape_cast %swap3A_70 : vector<16xi32> to vector<16xi32>
      %swap3A_72 = vector.shape_cast %sub3A_68 : vector<16xi32> to vector<16xi32>
      tpu.vector_store %arg9[%swap3A_69], %swap3A_72 {strides = array<i32>} : memref<96xi32, #tpu.memory_space<vmem>>, vector<16xi32>,
      %get3A_73 = arith.constant 64 : index
      %get3A_74 = tpu.vector_load %arg7[%get3A_73] {strides = array<i32>} : memref<80xi32, #tpu.memory_space<vmem>>, vector<16xi32>,
      %get3A_75 = vector.shape_cast %get3A_74 : vector<16xi32> to vector<16xi32>
      %sub3A_76 = arith.subi %get3A_75, %get3A_16 : vector<16xi32>
      %abs3A_77 = math.absi %sub3A_76 : vector<16xi32>
      %min3A_78 = arith.constant 1 : i32
      %min3A_79 = vector.broadcast %min3A_78 : i32 to vector<16xi32>
      %min3A_80 = arith.minsi %abs3A_77, %min3A_79 : vector<16xi32>
      %sub3A_81 = arith.constant 1 : i32
      %sub3A_82 = vector.broadcast %sub3A_81 : i32 to vector<16xi32>
      %sub3A_83 = arith.subi %sub3A_82, %min3A_80 : vector<16xi32>
      %swap3A_84 = arith.constant 64 : index
      %swap3A_85 = tpu.vector_load %arg9[%swap3A_84] {strides = array<i32>} : memref<96xi32, #tpu.memory_space<vmem>>, vector<16xi32>,
      %swap3A_86 = vector.shape_cast %swap3A_85 : vector<16xi32> to vector<16xi32>
      %swap3A_87 = vector.shape_cast %sub3A_83 : vector<16xi32> to vector<16xi32>
      tpu.vector_store %arg9[%swap3A_84], %swap3A_87 {strides = array<i32>} : memref<96xi32, #tpu.memory_space<vmem>>, vector<16xi32>,
      %add3A_88 = arith.constant 0 : i32
      %add3A_89 = arith.addi %mul3A_2, %add3A_88 : i32
      %get3A_90 = arith.index_cast %add3A_89 : i32 to index
      %get3A_91 = tpu.vector_load %arg9[%get3A_90] {strides = array<i32>} : memref<96xi32, #tpu.memory_space<vmem>>, vector<16xi32>,
      %get3A_92 = vector.shape_cast %get3A_91 : vector<16xi32> to vector<16xi32>
      %slice3A = vector.extract_strided_slice %get3A_92 {offsets = [0], sizes = [1], strides = [1]} : vector<16xi32> to vector<1xi32>
      %squeeze3A = vector.extract %slice3A[0] : i32 from vector<1xi32>
      %gt3A = arith.constant 0 : i32
      %gt3A_93 = arith.cmpi sgt, %squeeze3A, %gt3A : i32
      %lt3A_94 = arith.constant 77 : i32
      %lt3A_95 = arith.cmpi slt, %add3A_89, %lt3A_94 : i32
      %and3A = arith.andi %gt3A_93, %lt3A_95 : i1
      %convert_element_type3A_96 = arith.extui %and3A : i1 to i32
      %cond3A_97 = arith.constant 0 : i32
      %cond3A_98 = arith.cmpi ne, %convert_element_type3A_96, %cond3A_97 : i32
      scf.if %cond3A_98 {
        %mul3A_129 = arith.constant 768 : i32
        %mul3A_130 = arith.muli %add3A_89, %mul3A_129 : i32
        %multiple_of3A_131 = tpu.assume_multiple %mul3A_130, 8 : i32
        "tpu.region"() ({
          %run_scoped3A = tpu.sem_alloc : memref<!tpu.dma_semaphore, #tpu.memory_space<semaphore_mem>>
          %dma_start3A = tpu.memref_slice %arg6[%multiple_of3A_131] : memref<59136xf32, #tpu.memory_space<hbm>> -> memref<768xf32, #tpu.memory_space<hbm>>
          tpu.enqueue_dma source(%arg4 : memref<768xf32, #tpu.memory_space<hbm>>) target(%dma_start3A : memref<768xf32, #tpu.memory_space<hbm>>) target_semaphore(%run_scoped3A : memref<!tpu.dma_semaphore, #tpu.memory_space<semaphore_mem>>)
          %dma_wait3A = tpu.memref_slice %arg6[%multiple_of3A_131] : memref<59136xf32, #tpu.memory_space<hbm>> -> memref<768xf32, #tpu.memory_space<hbm>>
          tpu.wait_dma2 semaphore(%run_scoped3A : memref<!tpu.dma_semaphore, #tpu.memory_space<semaphore_mem>>) src(%arg4 : memref<768xf32, #tpu.memory_space<hbm>>) dst(%dma_wait3A : memref<768xf32, #tpu.memory_space<hbm>>)
          tpu.yield
        }) : () -> ()
      } else {
      }
      %add3A_99 = arith.constant 1 : i32
      %add3A_100 = arith.addi %mul3A_2, %add3A_99 : i32
      %get3A_101 = arith.index_cast %add3A_100 : i32 to index
      %get3A_102 = tpu.vector_load %arg9[%get3A_101] {strides = array<i32>} : memref<96xi32, #tpu.memory_space<vmem>>, vector<16xi32>,
      %get3A_103 = vector.shape_cast %get3A_102 : vector<16xi32> to vector<16xi32>
      %slice3A_104 = vector.extract_strided_slice %get3A_103 {offsets = [0], sizes = [1], strides = [1]} : vector<16xi32> to vector<1xi32>
      %squeeze3A_105 = vector.extract %slice3A_104[0] : i32 from vector<1xi32>
      %gt3A_106 = arith.constant 0 : i32
      %gt3A_107 = arith.cmpi sgt, %squeeze3A_105, %gt3A_106 : i32
      %lt3A_108 = arith.constant 77 : i32
      %lt3A_109 = arith.cmpi slt, %add3A_100, %lt3A_108 : i32
      %and3A_110 = arith.andi %gt3A_107, %lt3A_109 : i1
      %convert_element_type3A_111 = arith.extui %and3A_110 : i1 to i32
      %cond3A_112 = arith.constant 0 : i32
      %cond3A_113 = arith.cmpi ne, %convert_element_type3A_111, %cond3A_112 : i32
      scf.if %cond3A_113 {
        %mul3A_129 = arith.constant 768 : i32
        %mul3A_130 = arith.muli %add3A_100, %mul3A_129 : i32
        %multiple_of3A_131 = tpu.assume_multiple %mul3A_130, 8 : i32
        "tpu.region"() ({
          %run_scoped3A = tpu.sem_alloc : memref<!tpu.dma_semaphore, #tpu.memory_space<semaphore_mem>>
          %dma_start3A = tpu.memref_slice %arg6[%multiple_of3A_131] : memref<59136xf32, #tpu.memory_space<hbm>> -> memref<768xf32, #tpu.memory_space<hbm>>
          tpu.enqueue_dma source(%arg4 : memref<768xf32, #tpu.memory_space<hbm>>) target(%dma_start3A : memref<768xf32, #tpu.memory_space<hbm>>) target_semaphore(%run_scoped3A : memref<!tpu.dma_semaphore, #tpu.memory_space<semaphore_mem>>)
          %dma_wait3A = tpu.memref_slice %arg6[%multiple_of3A_131] : memref<59136xf32, #tpu.memory_space<hbm>> -> memref<768xf32, #tpu.memory_space<hbm>>
          tpu.wait_dma2 semaphore(%run_scoped3A : memref<!tpu.dma_semaphore, #tpu.memory_space<semaphore_mem>>) src(%arg4 : memref<768xf32, #tpu.memory_space<hbm>>) dst(%dma_wait3A : memref<768xf32, #tpu.memory_space<hbm>>)
          tpu.yield
        }) : () -> ()
      } else {
      }
      %add3A_114 = arith.constant 2 : i32
      %add3A_115 = arith.addi %mul3A_2, %add3A_114 : i32
      %get3A_116 = arith.index_cast %add3A_115 : i32 to index
      %get3A_117 = tpu.vector_load %arg9[%get3A_116] {strides = array<i32>} : memref<96xi32, #tpu.memory_space<vmem>>, vector<16xi32>,
      %get3A_118 = vector.shape_cast %get3A_117 : vector<16xi32> to vector<16xi32>
      %slice3A_119 = vector.extract_strided_slice %get3A_118 {offsets = [0], sizes = [1], strides = [1]} : vector<16xi32> to vector<1xi32>
      %squeeze3A_120 = vector.extract %slice3A_119[0] : i32 from vector<1xi32>
      %gt3A_121 = arith.constant 0 : i32
      %gt3A_122 = arith.cmpi sgt, %squeeze3A_120, %gt3A_121 : i32
      %lt3A_123 = arith.constant 77 : i32
      %lt3A_124 = arith.cmpi slt, %add3A_115, %lt3A_123 : i32
      %and3A_125 = arith.andi %gt3A_122, %lt3A_124 : i1
      %convert_element_type3A_126 = arith.extui %and3A_125 : i1 to i32
      %cond3A_127 = arith.constant 0 : i32
      %cond3A_128 = arith.cmpi ne, %convert_element_type3A_126, %cond3A_127 : i32
      scf.if %cond3A_128 {
        %mul3A_129 = arith.constant 768 : i32
        %mul3A_130 = arith.muli %add3A_115, %mul3A_129 : i32
        %multiple_of3A_131 = tpu.assume_multiple %mul3A_130, 8 : i32
        "tpu.region"() ({
          %run_scoped3A = tpu.sem_alloc : memref<!tpu.dma_semaphore, #tpu.memory_space<semaphore_mem>>
          %dma_start3A = tpu.memref_slice %arg6[%multiple_of3A_131] : memref<59136xf32, #tpu.memory_space<hbm>> -> memref<768xf32, #tpu.memory_space<hbm>>
          tpu.enqueue_dma source(%arg4 : memref<768xf32, #tpu.memory_space<hbm>>) target(%dma_start3A : memref<768xf32, #tpu.memory_space<hbm>>) target_semaphore(%run_scoped3A : memref<!tpu.dma_semaphore, #tpu.memory_space<semaphore_mem>>)
          %dma_wait3A = tpu.memref_slice %arg6[%multiple_of3A_131] : memref<59136xf32, #tpu.memory_space<hbm>> -> memref<768xf32, #tpu.memory_space<hbm>>
          tpu.wait_dma2 semaphore(%run_scoped3A : memref<!tpu.dma_semaphore, #tpu.memory_space<semaphore_mem>>) src(%arg4 : memref<768xf32, #tpu.memory_space<hbm>>) dst(%dma_wait3A : memref<768xf32, #tpu.memory_space<hbm>>)
          tpu.yield
        }) : () -> ()
      } else {
      }
    } else {
    }
    return
  }
}

module attributes {stable_mosaic.version = 14 : i64} {
  func.func @_matmul_body(%arg0: memref<1x768xf32, #tpu.memory_space<vmem>>, %arg1: memref<768x512xf32, #tpu.memory_space<vmem>>, %arg2: memref<512x768xf32, #tpu.memory_space<vmem>>, %arg3: memref<1x768xf32, #tpu.memory_space<vmem>>, %arg4: memref<768x768xf32, #tpu.memory_space<vmem>>, %arg5: memref<1x768xf32, #tpu.memory_space<vmem>>, %arg6: memref<1x768xf32, #tpu.memory_space<vmem>>) attributes {dimension_semantics = [], scalar_prefetch = 0 : i64, scratch_operands = 0 : i64, tpu.core_type = #tpu.core_type<tc>} {
    %get3A = arith.constant 0 : index
    %get3A_0 = arith.constant 0 : index
    %get3A_1 = vector.load %arg0[%get3A, %get3A_0] : memref<1x768xf32, #tpu.memory_space<vmem>>, vector<1x768xf32>
    %get3A_2 = arith.constant 0 : index
    %get3A_3 = arith.constant 0 : index
    %get3A_4 = vector.load %arg1[%get3A_2, %get3A_3] : memref<768x512xf32, #tpu.memory_space<vmem>>, vector<768x512xf32>
    %dot_general3A = arith.constant dense<0.000000e+00> : vector<1x512xf32>
    %dot_general3A_5 = tpu.matmul %get3A_1, %get3A_4, %dot_general3A {dimension_numbers = #tpu.dot_dimension_numbers<[1], [0], [0], [1], [0, 0, 1, 1], [], []>, transpose_lhs_hint = false} : vector<1x768xf32>, vector<768x512xf32>, vector<1x512xf32> -> vector<1x512xf32>
    %get3A_6 = arith.constant 0 : index
    %get3A_7 = arith.constant 0 : index
    %get3A_8 = vector.load %arg2[%get3A_6, %get3A_7] : memref<512x768xf32, #tpu.memory_space<vmem>>, vector<512x768xf32>
    %dot_general3A_9 = arith.constant dense<0.000000e+00> : vector<1x768xf32>
    %dot_general3A_10 = tpu.matmul %dot_general3A_5, %get3A_8, %dot_general3A_9 {dimension_numbers = #tpu.dot_dimension_numbers<[1], [0], [0], [1], [0, 0, 1, 1], [], []>, transpose_lhs_hint = false} : vector<1x512xf32>, vector<512x768xf32>, vector<1x768xf32> -> vector<1x768xf32>
    %get3A_11 = arith.constant 0 : index
    %get3A_12 = arith.constant 0 : index
    %get3A_13 = vector.load %arg3[%get3A_11, %get3A_12] : memref<1x768xf32, #tpu.memory_space<vmem>>, vector<1x768xf32>
    %add3A = arith.addf %dot_general3A_10, %get3A_13 : vector<1x768xf32>
    %get3A_14 = arith.constant 0 : index
    %get3A_15 = arith.constant 0 : index
    %get3A_16 = vector.load %arg4[%get3A_14, %get3A_15] : memref<768x768xf32, #tpu.memory_space<vmem>>, vector<768x768xf32>
    %dot_general3A_17 = arith.constant dense<0.000000e+00> : vector<1x768xf32>
    %dot_general3A_18 = tpu.matmul %add3A, %get3A_16, %dot_general3A_17 {dimension_numbers = #tpu.dot_dimension_numbers<[1], [0], [0], [1], [0, 0, 1, 1], [], []>, transpose_lhs_hint = false} : vector<1x768xf32>, vector<768x768xf32>, vector<1x768xf32> -> vector<1x768xf32>
    %get3A_19 = arith.constant 0 : index
    %get3A_20 = arith.constant 0 : index
    %get3A_21 = vector.load %arg5[%get3A_19, %get3A_20] : memref<1x768xf32, #tpu.memory_space<vmem>>, vector<1x768xf32>
    %add3A_22 = arith.addf %dot_general3A_18, %get3A_21 : vector<1x768xf32>
    %swap3A = arith.constant 0 : index
    %swap3A_23 = arith.constant 0 : index
    %swap3A_24 = vector.load %arg6[%swap3A, %swap3A_23] : memref<1x768xf32, #tpu.memory_space<vmem>>, vector<1x768xf32>
    tpu.vector_store %arg6[%swap3A, %swap3A_23], %add3A_22 {strides = array<i32>} : memref<1x768xf32, #tpu.memory_space<vmem>>, vector<1x768xf32>,
    return
  }
}

</mosaic_0001>

<sc_bundles>
// kernel: kernel.4.cloned.1.call-start
scs
__scs_entry_jumppad:
0x0: {  	(pc) =	sbr.rel $0x88, $3  }
0x1: {  	(tag) =	ssettag $0x0;
	lr =	simm.s32 $0x1  }
0x2: {  	[smem:$0x3F98] =	sst lr;
	_ =	strace $0xD0000000  }
0x3: {  	_ = 	snop  }
0x4: {  	_ = 	snop  }
0x5: {  	_ = 	snop  }
0x6: {  	_ = 	snop  }
0x7: {  	_ = 	snop  }
__scs_overlays_trampoline_lowered:
0x8: {  	[smem:$0x3FA7] =	sst s0  }
0x9: {  	[smem:$0x3FA8] =	sst s1  }
0xa: {  	[smem:$0x3FA9] =	sst s2  }
0xb: {  	[smem:$0x3FAA] =	sst s3  }
0xc: {  	[smem:$0x3FAB] =	sst s4  }
0xd: {  	[smem:$0x3FAC] =	sst s5  }
0xe: {  	[smem:$0x3FAD] =	sst s6  }
0xf: {  	[smem:$0x3FAE] =	sst s7  }
0x10: {  	[smem:$0x3FAF] =	sst s8  }
0x11: {  	[smem:$0x3FB0] =	sst s9;
	s0 =	simm.s32 @!p0 $0x0  }
0x12: {  	s1 =	sld [smem:$0x3F96];
	s0 =	simm.s32 @p0 $0x1  }
0x13: {  	[smem:$0x3FB1] =	sst s0;
	s0 =	simm.s32 @!p1 $0x0  }
0x14: {  	s2 =	sld [smem:$0x3F95];
	s0 =	simm.s32 @p1 $0x1  }
0x15: {  	[smem:$0x3FB2] =	sst s0;
	s0 =	simm.s32 @!p2 $0x0  }
0x16: {  	s3 =	sld [smem:$0x3FDB];
	s0 =	simm.s32 @p2 $0x1  }
0x17: {  	s4 =	simm.s32 $0x1BF5;
	[smem:$0x3FB4] =	sst s0  }
0x18: {  	s0 =	sld [smem:$0x3F97];
	_ =	swait.ge [sflag:s4], $0x0  }
0x19: {  	s7 =	sld [smem:$0x3F98]  }
0x1a: {  	s8 =	sadd.s32 $0xFFFFE003, lr  }
0x1b: {  	s9 =	sadd.s32 $0xFFFFFEF7, lr;
	s5 =	simm.s32 $0xFFFFFFFF;
	p2 =	slt.u32 s8, $0xFFFFF086  }
0x1c: {  	p1 =	slt.u32 s9, $0xF7A;
	s5 =	simm.s32 @!p2 $0x0  }
0x1d: {  	s5 =	simm.s32 @p1 $0x1;
	p0 =	seq.s32 s7, s2  }
0x1e: {  	s7 =	smul.u32 @!p0 $0xF7A, s2;
	p2 =	seq.s32 @!p0 s5, $0x0  }
0x1f: {  	s9 =	smul.u32 $0xF7A, s1;
	s8 =	simm.s32 @!p0 $0x1BF5;
	p2 =	por !p2, p0  }
0x20: {  	[sflag:s8] =	ssyncset.s32 @!p0 $0xFFFFF086;
	s6 =	sadd.s32 @!p0 s3, s7;
	s7 =	simm.s32 @!p0 $0x108  }
0x21: {  	s3 =	sadd.s32 s3, s9;
	s6 =	sadd.s32 @!p0 $0x88, s6;
	s7 =	simm.s32 @p2 $0x1082  }
0x22: {  	[simem:s7], [sflag:s8] =	dma.local @!p0 [hbm:s6], $0xF7A  }
0x23: {  	s9 =	sor.u32 $0xD0000000, s2;
	s6 =	simm.s32 $0x108;
	_ =	swait.ge @!p0 [sflag:s8], $0x0  }
0x24: {  	s3 =	sadd.s32 $0x88, s3;
	s6 =	simm.s32 @!p1 $0x1082;
	[sflag:s4] =	ssyncset.s32 $0xFFFFF086  }
0x25: {  	[simem:s6], [sflag:s4] =	dma.local [hbm:s3], $0xF7A  }
0x26: {  	[smem:$0x3F98] =	sst s1;
	(tag) =	ssettag s2;
	_ =	strace s9  }
0x27: {  	s1 =	sld [smem:$0x3FA8]  }
0x28: {  	s2 =	sld [smem:$0x3FA9]  }
0x29: {  	s4 =	sld [smem:$0x3FAB]  }
0x2a: {  	p0 =	seq.s32 s5, $0x0;
	s5 =	sld [smem:$0x3FAC]  }
0x2b: {  	s6 =	sld [smem:$0x3FAD]  }
0x2c: {  	s7 =	sld [smem:$0x3FAE]  }
0x2d: {  	s3 =	simm.s32 $0x108;
	s8 =	sld [smem:$0x3FAF]  }
0x2e: {  	s3 =	simm.s32 @!p0 $0x1082;
	s9 =	sld [smem:$0x3FB0]  }
0x2f: {  	lr =	sadd.s32 s0, s3;
	s0 =	sld [smem:$0x3FA7]  }
0x30: {  	s3 =	sld [smem:$0x3FAA]  }
0x31: {  	[smem:$0x3FB3] =	sst s10  }
0x32: {  	s10 =	sld [smem:$0x3FB1];
	_ =	sdelay $0x3  }
0x33: {  	p0 =	seq.s32 s10, $0x1;
	s10 =	sld [smem:$0x3FB3];
	_ =	sdelay $0x3  }
0x34: {  	[smem:$0x3FB3] =	sst s10  }
0x35: {  	s10 =	sld [smem:$0x3FB2];
	_ =	sdelay $0x3  }
0x36: {  	p1 =	seq.s32 s10, $0x1;
	s10 =	sld [smem:$0x3FB3];
	_ =	sdelay $0x3  }
0x37: {  	[smem:$0x3FB3] =	sst s10  }
0x38: {  	s10 =	sld [smem:$0x3FB4]  }
0x39: {  	_ = 	snop;
	(pc) =	sbr.ind lr, $3  }
0x3a: {  	_ = 	snop  }
0x3b: {  	_ = 	snop  }
0x3c: {  	p2 =	seq.s32 s10, $0x1;
	s10 =	sld [smem:$0x3FB3]  }
0x3d: {  	_ =	shalt  }
0x3e: {  	_ =	shalt  }
0x3f: {  	_ =	shalt  }
0x40: {  	_ =	shalt  }
0x41: {  	_ =	shalt  }
0x42: {  	_ =	shalt  }
0x43: {  	_ =	shalt  }
0x44: {  	_ =	shalt  }
0x45: {  	_ =	shalt  }
0x46: {  	_ =	shalt  }
0x47: {  	_ =	shalt  }
0x48: {  	_ =	shalt  }
0x49: {  	_ =	shalt  }
0x4a: {  	_ =	shalt  }
0x4b: {  	_ =	shalt  }
0x4c: {  	_ =	shalt  }
0x4d: {  	_ =	shalt  }
0x4e: {  	_ =	shalt  }
0x4f: {  	_ =	shalt  }
0x50: {  	_ =	shalt  }
0x51: {  	_ =	shalt  }
0x52: {  	_ =	shalt  }
0x53: {  	_ =	shalt  }
0x54: {  	_ =	shalt  }
0x55: {  	_ =	shalt  }
0x56: {  	_ =	shalt  }
0x57: {  	_ =	shalt  }
0x58: {  	_ =	shalt  }
0x59: {  	_ =	shalt  }
0x5a: {  	_ =	shalt  }
0x5b: {  	_ =	shalt  }
0x5c: {  	_ =	shalt  }
0x5d: {  	_ =	shalt  }
0x5e: {  	_ =	shalt  }
0x5f: {  	_ =	shalt  }
0x60: {  	_ =	shalt  }
0x61: {  	_ =	shalt  }
0x62: {  	_ =	shalt  }
0x63: {  	_ =	shalt  }
0x64: {  	_ =	shalt  }
0x65: {  	_ =	shalt  }
0x66: {  	_ =	shalt  }
0x67: {  	_ =	shalt  }
0x68: {  	_ =	shalt  }
0x69: {  	_ =	shalt  }
0x6a: {  	_ =	shalt  }
0x6b: {  	_ =	shalt  }
0x6c: {  	_ =	shalt  }
0x6d: {  	_ =	shalt  }
0x6e: {  	_ =	shalt  }
0x6f: {  	_ =	shalt  }
0x70: {  	_ =	shalt  }
0x71: {  	_ =	shalt  }
0x72: {  	_ =	shalt  }
0x73: {  	_ =	shalt  }
0x74: {  	_ =	shalt  }
0x75: {  	_ =	shalt  }
0x76: {  	_ =	shalt  }
0x77: {  	_ =	shalt  }
0x78: {  	_ =	shalt  }
0x79: {  	_ =	shalt  }
0x7a: {  	_ =	shalt  }
0x7b: {  	_ =	shalt  }
0x7c: {  	_ =	shalt  }
0x7d: {  	_ =	shalt  }
0x7e: {  	_ =	shalt  }
0x7f: {  	_ =	shalt  }
0x80: {  	_ =	shalt  }
0x81: {  	_ =	shalt  }
0x82: {  	_ =	shalt  }
0x83: {  	_ =	shalt  }
0x84: {  	_ =	shalt  }
0x85: {  	_ =	shalt  }
0x86: {  	_ =	shalt  }
0x87: {  	_ =	shalt  }
.Lfunc_end0:
.L_simem_size_0:
called_computation_lowered:
.L_overlay_start_0:
0x88: {  	s2 =	sld [smem:$0x3FD9]  }
0x89: {  	s3 =	sld [smem:$0x3FFE];
	_ =	sdelay $0x1  }
0x8a: {  	s1 =	srdreg.scid  }
0x8b: {  	s0 =	sand.u32 $0x1, s1  }
0x8c: {  	s17 =	sshll.u32 s0, $0xA;
	s2 =	sadd.s32 s3, s2  }
0x8d: {  	s2 =	sadd.s32 s2, s17  }
0x8e: {  	[smem:$0x3FBF] =	sst s2  }
0x8f: {  	_ = 	snop  }
0x90: {  	s2 =	sld [smem:$0x3FD0];
	(tm) =	ssettm $0x1  }
0x91: {  	s18 =	sld [smem:$0x3FFB];
	_ =	sdelay $0x3  }
0x92: {  	_ =	strace s18  }
0x93: {  	s3 =	sld [smem:$0x3FFC];
	_ =	sdelay $0x3  }
0x94: {  	_ =	strace s3  }
0x95: {  	s3 =	sld [smem:$0x3FFD];
	_ =	sdelay $0x3  }
0x96: {  	_ =	strace s3  }
0x97: {  	_ =	strace $0x8FFFFFFF  }
0x98: {  	s19 =	sld [smem:$0x3FDB];
	_ =	sdelay $0x1  }
0x99: {  	s4 =	simm.s32 $_scs_section_size  }
0x9a: {  	s5 =	simm.s32 $_size__tile_overlayer_lowered;
	s6 =	simm.s32 $_tile_overlayer_lowered  }
0x9b: {  	s22 =	simm.s32 $0x1BFF;
	s21 =	sshll.u32 s6, $0x1;
	s3 =	sadd.s32 s4, s19  }
0x9c: {  	s7 =	simm.s32 $0x0;
	s20 =	sshll.u32 s5, $0x1;
	s5 =	sadd.s32 s21, s3  }
0x9d: {  	[timem:s7], [sflag:s22] =	dma.local [hbm:s5], s20  }
0x9e: {  	_ =	swait.ge [sflag:s22], s20  }
0x9f: {  	s4 =	ssub.s32 $0x0, s20;
	[sflag:s22] =	ssyncset.done $0x0  }
0xa0: {  	[sflag:s22] =	ssyncadd.s32 s4;
	_ =	sdelay $0x1  }
0xa1: {  	s23 =	simm.s32 $0x1B8B  }
0xa2: {  	_ =	swait.ge [sflag:s23], $0x1  }
0xa3: {  	[sflag:s23] =	ssyncset.done $0x0  }
0xa4: {  	s25 =	simm.s32 $0x1B8E;
	s24 =	sld [smem:$0x3FFE];
	[sflag:s23] =	ssyncadd.s32 $0xFFFFFFFF  }
0xa5: {  	s26 =	simm.s32 $execute0_lowered;
	[smem:$0x3FD2] =	sst s25  }
0xa6: {  	s5 =	sshll.u32 s26, $0x1;
	_ =	strace $0x80000046;
	[dreg:$0x1] =	wrdreg $0xFFFFFFFF  }
0xa7: {  	s28 =	simm.s32 $_size_execute0_lowered;
	s3 =	sadd.s32 s3, s5;
	[dreg:$0x0] =	wrdreg $0x0  }
0xa8: {  	s5 =	sshll.u32 s28, $0x1;
	[dreg:$0x2] =	wrdreg s3  }
0xa9: {  	[dreg:$0x3] =	wrdreg s5  }
0xaa: {  	[dreg:$0x4] =	wrdreg $0xC0  }
0xab: {  	_ =	task [dreg:s7], $0x5FFFF  }
0xac: {  	[dreg:$0x1] =	wrdreg $0xFFFFFFFF  }
0xad: {  	[dreg:$0x0] =	wrdreg $0x60  }
0xae: {  	[dreg:$0x2] =	wrdreg s24  }
0xaf: {  	[dreg:$0x3] =	wrdreg s2  }
0xb0: {  	[dreg:$0x4] =	wrdreg $0x9  }
0xb1: {  	_ =	task.clear_ibuf [dreg:s7], $0x5FFFF;
	_ =	strace $0x90000046  }
0xb2: {  	s29 =	simm.s32 $0x9;
	_ =	strace $0x80000048  }
0xb3: {  	_ =	swait.ge [sflag:s29], $0x1  }
0xb4: {  	[sflag:s29] =	ssyncadd.s32 $0xFFFFFFFF  }
0xb5: {  	_ =	strace $0x90000048  }
0xb6: {  	_ =	sfence  }
0xb7: {  	s30 =	sld [smem:$0x0];
	_ =	sdelay $0x2  }
0xb8: {  	s31 =	sshll.u32 s1, $0xD;
	s1 =	sshrl.u32 s1, $0x2  }
0xb9: {  	s3 =	sand.u32 $0x4000, s31;
	s1 =	sadd.s32 s1, s30  }
0xba: {  	s0 =	sor.u32 s3, s0;
	s1 =	sshll.u32 s1, $0x11  }
0xbb: {  	s0 =	sor.u32 s1, s0  }
0xbc: {  	s0 =	sadd.s32 $0x8F2B, s0  }
0xbd: {  	[sflag:s0] =	ssyncadd.remote.s32 $0x1  }
0xbe: {  	_ =	sfence.sel $0xFFFF  }
0xbf: {  	[dreg:$0x0] =	wrdreg $0xFFFFFFFF;
	(pc) =	sbr.abs _section_cstart, $3  }
0xc0: {  	[dreg:$0x1] =	wrdreg $0xFFFFFFFF  }
0xc1: {  	_ =	task.clear_ibuf [dreg:s7], $0x2FFFF;
	_ =	strace $0x9FFFFFFF  }
0xc2: {  	(tm) =	ssettm $0x7FFFFFFF  }
0xc3: {  	_ =	shalt  }
tec
execute0_lowered:
.L_overlay_start_1:
0x0: {  	(tag) =	ssettag $0x1  }
0x1: {  	s9 =	rddreg [dreg:$0x0]  }
0x2: {  	s2 =	rddreg [dreg:$0x1]  }
0x3: {  	s0 =	rddreg [dreg:$0x2]  }
0x4: {  	s4 =	srdreg.scid;
	s1 =	stileid.u32  }
0x5: {  	s3 =	simm.s32 $0x0;
	s18 =	simm.s32 $0x1;
	s19 =	simm.s32 $0x80  }
0x6: {  	s6 =	sand.u32 $0x1, s4;
	s31 =	sshll.u32 s1, $0x1;
	[smem:$0x7FF] =	sst s3  }
0x7: {  	s4 =	sadd.s32 $0x2200, s9;
	s5 =	sadd.s32 $0x2400, s9;
	s13 =	sadd.s32 $0x2600, s9  }
0x8: {  	p2 =	sgt.u32 s1, $0xC;
	s12 =	sor.u32 s6, s31;
	s7 =	ssub.s32 $0x2, s6  }
0x9: {  	_ =	strace $0x80000047;
	s10 =	smul.u32 $0x120, s12;
	s8 =	sshrl.u32 s7, $0x1  }
0xa: {  	s6 =	smul.u32 $0x3, s12;
	p0 =	sgt.u32 s12, $0x18;
	s15 =	ssub.s32 s7, s8  }
0xb: {  	s7 =	sadd.s32 $0x4220, s9;
	p1 =	sne.s32 @p0 s12, $0x19;
	s17 =	sshll.u32 @!p0 s1, $0x6  }
.Ltmp0:
0xc: {  	s11 =	sadd.s32 s10, s9;
	s8 =	sadd.s32 $0x1, s6;
	(pc) =	sbr.rel .LBB2_1-.Ltmp0, $4  }
0xd: {  	s9 =	sadd.s32 $0x2020, s9;
	s10 =	sadd.s32 s13, s10;
	p1 =	por p1, !p0  }
0xe: {  	s15 =	smax.u32 s15, $0x1;
	s14 =	smul.u32 $0x60, s8;
	s16 =	sshll.u32 @!p1 s1, $0x6  }
0xf: {  	s17 =	sor.u32 @!p0 $0x1C01, s17;
	s11 =	sadd.s32 $0x400, s11;
	s16 =	sor.u32 @!p1 $0x1C01, s16  }
0x10: {  	s12 =	sadd.s32 s13, s14;
	s13 =	sadd.s32 $0x2, s6;
	s14 =	sadd.s32 $0xC0, s10  }
.LBB2_3:
0x11: {  	s15 =	sadd.s32 $0xFFFFFFFF, s15  }
0x12: {  	p3 =	sne.s32 s15, $0x0  }
.Ltmp1:
0x13: {  	_ = 	snop;
	(pc) =	sbr.rel @!p3 .LBB2_4-.Ltmp1, $1  }
0x14: {  	_ =	sdelay $0x3  }
.LBB2_1:
0x15: {  	[hbm:s7], [sflag:s16] =	dma.local @!p1 [hbm:s9], $0xC0  }
0x16: {  	s20 =	simm.s32 @!p1 $0x1  }
0x17: {  	_ =	swait.ge @!p1 [sflag:s20], $0xC0  }
0x18: {  	[sflag:s20] =	ssyncset.done @!p1 $0x0  }
.Ltmp2:
0x19: {  	[sflag:s20] =	ssyncadd.s32 @!p1 $0xFFFFFF40;
	s20 =	simm.s32 @!p0 $0x1;
	(pc) =	sbr.rel @p2 .LBB2_3-.Ltmp2, $4  }
0x1a: {  	[hbm:s10], [sflag:s17] =	dma.local @!p0 [hbm:s11], $0x120  }
0x1b: {  	_ =	swait.ge @!p0 [sflag:s20], $0x120  }
0x1c: {  	[sflag:s20] =	ssyncset.done @!p0 $0x0  }
0x1d: {  	[sflag:s20] =	ssyncadd.s32 @!p0 $0xFFFFFEE0  }
0x1e: {  	[tilespmem:s3], [sflag:$0x1] =	stream.linear.gather [hbm4b:s4+s3], $0x80, $0x38;
	[tilespmem:$0x180] =	vst v63  }
0x1f: {  	_ =	swait.ge [sflag:s18], $0x80  }
0x20: {  	[sflag:s18] =	ssyncset.done $0x0  }
0x21: {  	[sflag:s18] =	ssyncadd.s32 $0xFFFFFF80  }
0x22: {  	[tilespmem:s19], [sflag:$0x1] =	stream.linear.gather [hbm4b:s5+s3], $0x80, $0x38;
	[tilespmem:$0x180] =	vst v63  }
0x23: {  	_ =	swait.ge [sflag:s18], $0x80  }
0x24: {  	[sflag:s18] =	ssyncset.done $0x0  }
0x25: {  	[sflag:s18] =	ssyncadd.s32 $0xFFFFFF80  }
0x26: {  	v0 =	vld [tilespmem:$0x80]  }
0x27: {  	v1 =	vld [tilespmem:$0x0]  }
0x28: {  	v2 =	vld [tilespmem:$0x10]  }
0x29: {  	v3 =	vld [tilespmem:$0x20]  }
0x2a: {  	v4 =	vld [tilespmem:$0x30]  }
0x2b: {  	v5 =	vld [tilespmem:$0x40];
	_ =	sdelay $0x3  }
0x2c: {  	v1 =	vsub.s32 v1, v0;
	v2 =	vsub.s32 v2, v0;
	v3 =	vsub.s32 v3, v0  }
0x2d: {  	v4 =	vsub.s32 v4, v0;
	v0 =	vsub.s32 v5, v0;
	v6 =	vsub.s32 $0x0, v1  }
0x2e: {  	v53 =	vsub.s32 $0x0, v2;
	v54 =	vsub.s32 $0x0, v3;
	v55 =	vsub.s32 $0x0, v4  }
0x2f: {  	v56 =	vsub.s32 $0x0, v0;
	v1 =	vmin.u32 v1, v6;
	v2 =	vmin.u32 v2, v53  }
0x30: {  	v3 =	vmin.u32 v3, v54;
	v4 =	vmin.u32 v4, v55;
	vm0 =	vlt.s32 v1, $0x1  }
0x31: {  	v0 =	vmin.u32 v0, v56;
	vm12 =	vlt.s32 v2, $0x1;
	v1 =	vnsel vm0, $0x1, v1  }
0x32: {  	vm13 =	vlt.s32 v3, $0x1;
	v2 =	vnsel vm12, $0x1, v2;
	v1 =	vsub.s32 $0x1, v1  }
0x33: {  	vm14 =	vlt.s32 v4, $0x1;
	v58 =	vnsel vm13, $0x1, v3;
	v57 =	vsub.s32 $0x1, v2;
	[tilespmem:$0x100] =	vst v1  }
0x34: {  	vm15 =	vlt.s32 v0, $0x1;
	v60 =	vnsel vm14, $0x1, v4;
	v59 =	vsub.s32 $0x1, v58;
	[tilespmem:$0x110] =	vst v57  }
0x35: {  	v0 =	vnsel vm15, $0x1, v0;
	v61 =	vsub.s32 $0x1, v60;
	[tilespmem:$0x120] =	vst v59  }
0x36: {  	v0 =	vsub.s32 $0x1, v0;
	[tilespmem:$0x130] =	vst v61  }
0x37: {  	[tilespmem:$0x140] =	vst v0  }
0x38: {  	v0 =	vld [tilespmem:s6+$0x100];
	_ =	sdelay $0x4  }
0x39: {  	(v2sf) =	vpush v0, $0x0;
	_ =	sdelay $0xe  }
0x3a: {  	s20 =	spop (v2sf)  }
0x3b: {  	p3 =	slt.s32 s20, $0x1  }
0x3c: {  	s20 =	sshll.u32 @!p3 s1, $0x6  }
0x3d: {  	s20 =	sor.u32 @!p3 $0x1C01, s20  }
0x3e: {  	[hbm:s10], [sflag:s20] =	dma.local @!p3 [hbm:s2], $0x60  }
0x3f: {  	s20 =	simm.s32 @!p3 $0x1  }
0x40: {  	_ =	swait.ge @!p3 [sflag:s20], $0x60  }
0x41: {  	[sflag:s20] =	ssyncset.done @!p3 $0x0  }
0x42: {  	[sflag:s20] =	ssyncadd.s32 @!p3 $0xFFFFFFA0  }
0x43: {  	v62 =	vld [tilespmem:s8+$0x100];
	_ =	sdelay $0x4  }
0x44: {  	(v2sf) =	vpush v62, $0x0;
	_ =	sdelay $0xe  }
0x45: {  	s31 =	spop (v2sf)  }
0x46: {  	p3 =	slt.s32 s31, $0x1  }
0x47: {  	s20 =	sshll.u32 @!p3 s1, $0x6  }
0x48: {  	s20 =	sor.u32 @!p3 $0x1C01, s20  }
0x49: {  	[hbm:s12], [sflag:s20] =	dma.local @!p3 [hbm:s2], $0x60  }
0x4a: {  	s20 =	simm.s32 @!p3 $0x1  }
0x4b: {  	_ =	swait.ge @!p3 [sflag:s20], $0x60  }
0x4c: {  	[sflag:s20] =	ssyncset.done @!p3 $0x0  }
0x4d: {  	[sflag:s20] =	ssyncadd.s32 @!p3 $0xFFFFFFA0  }
0x4e: {  	v63 =	vld [tilespmem:s13+$0x100];
	_ =	sdelay $0x4  }
0x4f: {  	(v2sf) =	vpush v63, $0x0;
	_ =	sdelay $0xe  }
0x50: {  	s20 =	spop (v2sf)  }
0x51: {  	p3 =	slt.s32 @!p0 s20, $0x1  }
0x52: {  	p3 =	por p3, p0  }
0x53: {  	s20 =	sshll.u32 @!p3 s1, $0x6  }
0x54: {  	s20 =	sor.u32 @!p3 $0x1C01, s20  }
0x55: {  	[hbm:s14], [sflag:s20] =	dma.local @!p3 [hbm:s2], $0x60  }
.Ltmp3:
0x56: {  	_ = 	snop;
	(pc) =	sbr.rel .LBB2_3-.Ltmp3, $4  }
0x57: {  	s20 =	simm.s32 @!p3 $0x1  }
0x58: {  	_ =	swait.ge @!p3 [sflag:s20], $0x60  }
0x59: {  	[sflag:s20] =	ssyncset.done @!p3 $0x0  }
0x5a: {  	[sflag:s20] =	ssyncadd.s32 @!p3 $0xFFFFFFA0  }
.LBB2_4:
0x5b: {  	_ =	sfence.sel $0x180000  }
0x5c: {  	[bflag:$0x0] =	sbarrier.arrive $0xFFFF  }
0x5d: {  	p0 =	sne.s32 s1, $0x0;
	_ =	strace $0x90000047  }
0x5e: {  	s0 =	sadd.s32 @!p0 $0x100000, s0;
	[bflag:$0x2] =	sbarrier.arrive $0xFFFF  }
0x5f: {  	[sflag:s0] =	ssyncadd.tile.s32 @!p0 $0x1;
	_ =	shalt  }
.Lfunc_end2:
_tile_overlayer_lowered:
.L_overlay_start_2:
0x60: {  	(tag) =	ssettag $0x2  }
0x61: {  	s0 =	rddreg [dreg:$0x0];
	s2 =	stileid.u32  }
0x62: {  	s1 =	rddreg [dreg:$0x1];
	p0 =	sne.s32 s2, $0x0  }
0x63: {  	s3 =	rddreg [dreg:$0x2];
	[bflag:$0x3] =	sbarrier.arrive $0xFFFF;
	s2 =	simm.s32 @!p0 $0x1C01  }
0x64: {  	[timem:s3], [sflag:s2] =	dma.local @!p0 [hbm:s0], s1  }
0x65: {  	s0 =	simm.s32 @!p0 $0x1  }
0x66: {  	_ =	swait.ge @!p0 [sflag:s0], s1  }
0x67: {  	s1 =	ssub.s32 @!p0 $0x0, s1;
	[sflag:s0] =	ssyncset.done @!p0 $0x0  }
0x68: {  	[sflag:s0] =	ssyncadd.s32 @!p0 s1  }
0x69: {  	[bflag:$0x3] =	sbarrier.arrive $0xFFFF  }
0x6a: {  	_ =	shalt  }

</sc_bundles>
